<compile_context>
chip_gen: v7x
topology: tpu7x:2x2x1
jax: 0.10.2.dev20260603
libtpu: 0.0.44.dev20260713+nightly
codegen_flags: <defaults>
</compile_context>

<pallas_src>
import functools

import jax
import jax.numpy as jnp
from jax import lax
from jax.experimental import pallas as pl
from jax.experimental.pallas import tpu as pltpu
from jax.experimental.pallas import tpu_sc as plsc

_B = 16384
_E = 97
_EP = 112
_D = 199
_C = 20
_BS = 8192

_NC = 2
_NSUB = 16
_NW = _NC * _NSUB
_BPW = _B // _NW


def _tc_body(x_ref, wt_ref, lin_ref, idx_ref):
    xb = x_ref[...]
    lin_ref[...] = jax.lax.dot_general(
        xb, wt_ref[...], (((1,), (0,)), ((), ())),
        preferred_element_type=jnp.float32)
    idx_ref[...] = xb[:, 0:1].astype(jnp.int32)


def _tc_stage(x, wt_pad):
    return pl.pallas_call(
        _tc_body,
        grid=(_B // _BS,),
        in_specs=[
            pl.BlockSpec((_BS, _D + 1), lambda i: (i, 0)),
            pl.BlockSpec((_D + 1, _EP), lambda i: (0, 0)),
        ],
        out_specs=[
            pl.BlockSpec((_BS, _EP), lambda i: (i, 0)),
            pl.BlockSpec((_BS, 1), lambda i: (i, 0)),
        ],
        out_shape=[
            jax.ShapeDtypeStruct((_B, _EP), jnp.float32),
            jax.ShapeDtypeStruct((_B, 1), jnp.int32),
        ],
    )(x, wt_pad)


@functools.partial(
    pl.kernel,
    mesh=plsc.VectorSubcoreMesh(core_axis_name="c", subcore_axis_name="s"),
    compiler_params=pltpu.CompilerParams(use_tc_tiling_on_sc=False),
    out_type=jax.ShapeDtypeStruct((_B, _E), jnp.float32),
    scratch_types=[
        pltpu.VMEM((_BPW,), jnp.int32),
        pltpu.VMEM((_BPW, _EP), jnp.float32),
        pltpu.VMEM((_BPW, _EP), jnp.float32),
        pltpu.VMEM_SHARED((_C, _EP), jnp.float32),
        pltpu.SemaphoreType.DMA,
        pltpu.SemaphoreType.DMA,
    ],
)
def _sc_gather_add(lin_hbm, idx_hbm, table_hbm, out_hbm,
                   idx_v, rows_v, lin_v, table_sp, sem, sem2):
    wid = lax.axis_index("s") * _NC + lax.axis_index("c")
    base = wid * _BPW
    pltpu.sync_copy(idx_hbm.at[pl.ds(base, _BPW)], idx_v)

    @pl.when(lax.axis_index("s") == 0)
    def _():
        pltpu.sync_copy(table_hbm, table_sp)

    plsc.subcore_barrier()

    gat = pltpu.async_copy(table_sp.at[idx_v], rows_v, sem)
    pltpu.sync_copy(lin_hbm.at[pl.ds(base, _BPW)], lin_v)
    gat.wait()

    def row_body(r, carry):
        for c in range(0, _EP, 16):
            plsc.addupdate(rows_v.at[r, pl.ds(c, 16)],
                           lin_v[r, pl.ds(c, 16)])
        return carry

    lax.fori_loop(0, _BPW, row_body, 0)

    copies = []
    for c in range(0, 96, 16):
        copies.append(pltpu.async_copy(
            rows_v.at[:, pl.ds(c, 16)],
            out_hbm.at[pl.ds(base, _BPW), pl.ds(c, 16)], sem2))
    copies.append(pltpu.async_copy(
        rows_v.at[:, pl.ds(96, 1)],
        out_hbm.at[pl.ds(base, _BPW), pl.ds(96, 1)], sem2))
    for cp in copies:
        cp.wait()


def kernel(x, emb_table, W, b):
    wt_pad = jnp.zeros((_D + 1, _EP), jnp.float32)
    wt_pad = wt_pad.at[1:, :_E].set(W.T)
    table2 = jnp.zeros((_C, _EP), jnp.float32)
    table2 = table2.at[:, :_E].set(emb_table + b.reshape(1, _E))
    lin, idx2 = _tc_stage(x, wt_pad)
    idx = idx2.reshape(_B)
    return _sc_gather_add(lin, idx, table2)

# --- scband reference (transcript-rebuilt; emitter-appended) ---
"""Pipeline reference for scband-rec-encoder-52613349376240 (READ-ONLY COPY).

The authoritative reference and input builder live on the scoring server;
editing this copy changes nothing except your own understanding.
"""

import jax, jax.numpy as jnp
import numpy as np

B = 16384
EMB_DIM = 97
NUM_CAT = 20
DENSE_DIM = 199

def setup_inputs(seed: int = 0) -> dict:
    key = jax.random.key(seed)
    k_cat, k_feat, k_emb, k_w, k_b = jax.random.split(key, 5)
    cat_col = jax.random.randint(k_cat, (B, 1), 0, NUM_CAT).astype(jnp.float32)
    dense = jax.random.normal(k_feat, (B, DENSE_DIM), dtype=jnp.float32)
    x = jnp.concatenate([cat_col, dense], axis=1)
    emb_table = jax.random.normal(k_emb, (NUM_CAT, EMB_DIM), dtype=jnp.float32) * 0.02
    W = jax.random.normal(k_w, (EMB_DIM, DENSE_DIM), dtype=jnp.float32) * (1.0 / np.sqrt(DENSE_DIM))
    b = jax.random.normal(k_b, (EMB_DIM,), dtype=jnp.float32) * 0.01
    return {"x": x, "emb_table": emb_table, "W": W, "b": b}

def reference(x, emb_table, W, b):
    # x[:, 0].long() -> embedding lookup
    idx = x[:, 0].astype(jnp.int32)
    x_embedding = jnp.take(emb_table, idx, axis=0)
    # x[:, 1:].float() -> Linear(199, emb_dim)
    lin = x[:, 1:] @ W.T + b
    return x_embedding + lin

if __name__ == "__main__":
    import jax
    _d = setup_inputs()
    print(jax.jit(kernel)(*tuple(_d.values())))

</pallas_src>

<mosaic_0001>
#map = affine_map<(d0, d1) -> (0, 0)>
#map1 = affine_map<(d0, d1) -> (0)>
module attributes {stable_mosaic.version = 14 : i64} {
  func.func @_sc_gather_add(%arg0: i32, %arg1: i32, %arg2: memref<16384x112xf32, #tpu.memory_space<hbm>>, %arg3: memref<16384xi32, #tpu.memory_space<hbm>>, %arg4: memref<20x112xf32, #tpu.memory_space<hbm>>, %arg5: memref<16384x97xf32, #tpu.memory_space<hbm>>, %arg6: memref<512xi32, #tpu.memory_space<vmem>>, %arg7: memref<512x112xf32, #tpu.memory_space<vmem>>, %arg8: memref<512x112xf32, #tpu.memory_space<vmem>>, %arg9: memref<20x112xf32, #tpu.memory_space<vmem_shared>>, %arg10: memref<!tpu.dma_semaphore, #tpu.memory_space<semaphore_mem>>, %arg11: memref<!tpu.dma_semaphore, #tpu.memory_space<semaphore_mem>>) attributes {dimension_semantics = [#tpu.dimension_semantics<core_parallel>, #tpu.dimension_semantics<subcore_parallel>], iteration_bounds = array<i64: 2, 16>, scalar_prefetch = 0 : i64, scratch_operands = 6 : i64, tpu.core_type = #tpu.core_type<sc_vector_subcore>, window_params = [{transform_indices = #map}, {transform_indices = #map1}, {transform_indices = #map}, {transform_indices = #map}]} {
    %mul3A = arith.constant 2 : i32
    %mul3A_0 = arith.muli %arg1, %mul3A : i32
    %add3A = arith.addi %mul3A_0, %arg0 : i32
    %mul3A_1 = arith.constant 512 : i32
    %mul3A_2 = arith.muli %add3A, %mul3A_1 : i32
    "tpu.region"() ({
      %run_scoped3A = tpu.sem_alloc : memref<!tpu.dma_semaphore, #tpu.memory_space<semaphore_mem>>
      %dma_start3A_154 = tpu.memref_slice %arg3[%mul3A_2] : memref<16384xi32, #tpu.memory_space<hbm>> -> memref<512xi32, #tpu.memory_space<hbm>>
      %dma_start3A_155 = tpu.memref_slice %arg3[%mul3A_2] : memref<16384xi32, #tpu.memory_space<hbm>> -> memref<512xi32, #tpu.memory_space<hbm>>
      tpu.enqueue_dma source(%dma_start3A_155 : memref<512xi32, #tpu.memory_space<hbm>>) target(%arg6 : memref<512xi32, #tpu.memory_space<vmem>>) target_semaphore(%run_scoped3A : memref<!tpu.dma_semaphore, #tpu.memory_space<semaphore_mem>>)
      %dma_wait3A_156 = tpu.memref_slice %arg3[%mul3A_2] : memref<16384xi32, #tpu.memory_space<hbm>> -> memref<512xi32, #tpu.memory_space<hbm>>
      %dma_wait3A_157 = tpu.memref_slice %arg3[%mul3A_2] : memref<16384xi32, #tpu.memory_space<hbm>> -> memref<512xi32, #tpu.memory_space<hbm>>
      tpu.wait_dma2 semaphore(%run_scoped3A : memref<!tpu.dma_semaphore, #tpu.memory_space<semaphore_mem>>) src(%dma_wait3A_157 : memref<512xi32, #tpu.memory_space<hbm>>) dst(%arg6 : memref<512xi32, #tpu.memory_space<vmem>>)
      tpu.yield
    }) : () -> ()
    %eq3A = arith.constant 0 : i32
    %eq3A_3 = arith.cmpi eq, %arg1, %eq3A : i32
    %convert_element_type3A = arith.extui %eq3A_3 : i1 to i32
    %cond3A = arith.constant 0 : i32
    %cond3A_4 = arith.cmpi ne, %convert_element_type3A, %cond3A : i32
    scf.if %cond3A_4 {
      "tpu.region"() ({
        %run_scoped3A = tpu.sem_alloc : memref<!tpu.dma_semaphore, #tpu.memory_space<semaphore_mem>>
        tpu.enqueue_dma source(%arg4 : memref<20x112xf32, #tpu.memory_space<hbm>>) target(%arg9 : memref<20x112xf32, #tpu.memory_space<vmem_shared>>) target_semaphore(%run_scoped3A : memref<!tpu.dma_semaphore, #tpu.memory_space<semaphore_mem>>)
        tpu.wait_dma2 semaphore(%run_scoped3A : memref<!tpu.dma_semaphore, #tpu.memory_space<semaphore_mem>>) src(%arg4 : memref<20x112xf32, #tpu.memory_space<hbm>>) dst(%arg9 : memref<20x112xf32, #tpu.memory_space<vmem_shared>>)
        tpu.yield
      }) : () -> ()
    } else {
    }
    %barrier3A = arith.constant 0 : index
    tpu.barrier barrier_id(%barrier3A)
    %dma_start3A = arith.constant 0 : i32
    %dma_start3A_5 = arith.constant 0 : i32
    %dma_start3A_6 = tpu.memref_slice %arg9[%dma_start3A, %dma_start3A_5] : memref<20x112xf32, #tpu.memory_space<vmem_shared>> -> memref<20x112xf32, #tpu.memory_space<vmem_shared>>
    tpu.enqueue_indirect_dma source(%dma_start3A_6 : memref<20x112xf32, #tpu.memory_space<vmem_shared>>) target(%arg7 : memref<512x112xf32, #tpu.memory_space<vmem>>) offsets(%arg6 : memref<512xi32, #tpu.memory_space<vmem>>) semaphore(%arg10 : memref<!tpu.dma_semaphore, #tpu.memory_space<semaphore_mem>>)
    "tpu.region"() ({
      %run_scoped3A = tpu.sem_alloc : memref<!tpu.dma_semaphore, #tpu.memory_space<semaphore_mem>>
      %dma_start3A_154 = arith.constant 0 : i32
      %dma_start3A_155 = tpu.memref_slice %arg2[%mul3A_2, %dma_start3A_154] : memref<16384x112xf32, #tpu.memory_space<hbm>> -> memref<512x112xf32, #tpu.memory_space<hbm>>
      %dma_start3A_156 = arith.constant 0 : i32
      %dma_start3A_157 = tpu.memref_slice %arg2[%mul3A_2, %dma_start3A_156] : memref<16384x112xf32, #tpu.memory_space<hbm>> -> memref<512x112xf32, #tpu.memory_space<hbm>>
      tpu.enqueue_dma source(%dma_start3A_157 : memref<512x112xf32, #tpu.memory_space<hbm>>) target(%arg8 : memref<512x112xf32, #tpu.memory_space<vmem>>) target_semaphore(%run_scoped3A : memref<!tpu.dma_semaphore, #tpu.memory_space<semaphore_mem>>)
      %dma_wait3A_158 = arith.constant 0 : i32
      %dma_wait3A_159 = tpu.memref_slice %arg2[%mul3A_2, %dma_wait3A_158] : memref<16384x112xf32, #tpu.memory_space<hbm>> -> memref<512x112xf32, #tpu.memory_space<hbm>>
      %dma_wait3A_160 = arith.constant 0 : i32
      %dma_wait3A_161 = tpu.memref_slice %arg2[%mul3A_2, %dma_wait3A_160] : memref<16384x112xf32, #tpu.memory_space<hbm>> -> memref<512x112xf32, #tpu.memory_space<hbm>>
      tpu.wait_dma2 semaphore(%run_scoped3A : memref<!tpu.dma_semaphore, #tpu.memory_space<semaphore_mem>>) src(%dma_wait3A_161 : memref<512x112xf32, #tpu.memory_space<hbm>>) dst(%arg8 : memref<512x112xf32, #tpu.memory_space<vmem>>)
      tpu.yield
    }) : () -> ()
    %dma_wait3A = arith.constant 0 : i32
    %dma_wait3A_7 = arith.constant 0 : i32
    %dma_wait3A_8 = tpu.memref_slice %arg9[%dma_wait3A, %dma_wait3A_7] : memref<20x112xf32, #tpu.memory_space<vmem_shared>> -> memref<20x112xf32, #tpu.memory_space<vmem_shared>>
    tpu.wait_indirect_dma semaphore(%arg10 : memref<!tpu.dma_semaphore, #tpu.memory_space<semaphore_mem>>) src(%dma_wait3A_8 : memref<20x112xf32, #tpu.memory_space<vmem_shared>>) dst(%arg7 : memref<512x112xf32, #tpu.memory_space<vmem>>)
    %scan3A = arith.constant 0 : i32
    %scan3A_9 = arith.constant 0 : i32
    %scan3A_10 = arith.constant 512 : i32
    %scan3A_11 = arith.addi %scan3A_9, %scan3A_10 : i32
    %scan3A_12 = arith.constant 1 : i32
    scf.for %scan3A_154 = %scan3A_9 to %scan3A_11 step %scan3A_12  : i32 {
      %get3A = arith.index_cast %scan3A_154 : i32 to index
      %get3A_155 = arith.constant 0 : index
      %get3A_156 = tpu.vector_load %arg8[%get3A, %get3A_155] {strides = array<i32>} : memref<512x112xf32, #tpu.memory_space<vmem>>, vector<1x16xf32>,
      %get3A_157 = vector.shape_cast %get3A_156 : vector<1x16xf32> to vector<16xf32>
      %swap3A = arith.index_cast %scan3A_154 : i32 to index
      %swap3A_158 = arith.constant 0 : index
      %swap3A_159 = tpu.vector_load %arg7[%swap3A, %swap3A_158] {strides = array<i32>} : memref<512x112xf32, #tpu.memory_space<vmem>>, vector<1x16xf32>,
      %swap3A_160 = vector.shape_cast %swap3A_159 : vector<1x16xf32> to vector<16xf32>
      %swap3A_161 = vector.shape_cast %get3A_157 : vector<16xf32> to vector<1x16xf32>
      tpu.vector_store %arg7[%swap3A, %swap3A_158], %swap3A_161 {add = true, strides = array<i32>} : memref<512x112xf32, #tpu.memory_space<vmem>>, vector<1x16xf32>,
      %get3A_162 = arith.index_cast %scan3A_154 : i32 to index
      %get3A_163 = arith.constant 16 : index
      %get3A_164 = tpu.vector_load %arg8[%get3A_162, %get3A_163] {strides = array<i32>} : memref<512x112xf32, #tpu.memory_space<vmem>>, vector<1x16xf32>,
      %get3A_165 = vector.shape_cast %get3A_164 : vector<1x16xf32> to vector<16xf32>
      %swap3A_166 = arith.index_cast %scan3A_154 : i32 to index
      %swap3A_167 = arith.constant 16 : index
      %swap3A_168 = tpu.vector_load %arg7[%swap3A_166, %swap3A_167] {strides = array<i32>} : memref<512x112xf32, #tpu.memory_space<vmem>>, vector<1x16xf32>,
      %swap3A_169 = vector.shape_cast %swap3A_168 : vector<1x16xf32> to vector<16xf32>
      %swap3A_170 = vector.shape_cast %get3A_165 : vector<16xf32> to vector<1x16xf32>
      tpu.vector_store %arg7[%swap3A_166, %swap3A_167], %swap3A_170 {add = true, strides = array<i32>} : memref<512x112xf32, #tpu.memory_space<vmem>>, vector<1x16xf32>,
      %get3A_171 = arith.index_cast %scan3A_154 : i32 to index
      %get3A_172 = arith.constant 32 : index
      %get3A_173 = tpu.vector_load %arg8[%get3A_171, %get3A_172] {strides = array<i32>} : memref<512x112xf32, #tpu.memory_space<vmem>>, vector<1x16xf32>,
      %get3A_174 = vector.shape_cast %get3A_173 : vector<1x16xf32> to vector<16xf32>
      %swap3A_175 = arith.index_cast %scan3A_154 : i32 to index
      %swap3A_176 = arith.constant 32 : index
      %swap3A_177 = tpu.vector_load %arg7[%swap3A_175, %swap3A_176] {strides = array<i32>} : memref<512x112xf32, #tpu.memory_space<vmem>>, vector<1x16xf32>,
      %swap3A_178 = vector.shape_cast %swap3A_177 : vector<1x16xf32> to vector<16xf32>
      %swap3A_179 = vector.shape_cast %get3A_174 : vector<16xf32> to vector<1x16xf32>
      tpu.vector_store %arg7[%swap3A_175, %swap3A_176], %swap3A_179 {add = true, strides = array<i32>} : memref<512x112xf32, #tpu.memory_space<vmem>>, vector<1x16xf32>,
      %get3A_180 = arith.index_cast %scan3A_154 : i32 to index
      %get3A_181 = arith.constant 48 : index
      %get3A_182 = tpu.vector_load %arg8[%get3A_180, %get3A_181] {strides = array<i32>} : memref<512x112xf32, #tpu.memory_space<vmem>>, vector<1x16xf32>,
      %get3A_183 = vector.shape_cast %get3A_182 : vector<1x16xf32> to vector<16xf32>
      %swap3A_184 = arith.index_cast %scan3A_154 : i32 to index
      %swap3A_185 = arith.constant 48 : index
      %swap3A_186 = tpu.vector_load %arg7[%swap3A_184, %swap3A_185] {strides = array<i32>} : memref<512x112xf32, #tpu.memory_space<vmem>>, vector<1x16xf32>,
      %swap3A_187 = vector.shape_cast %swap3A_186 : vector<1x16xf32> to vector<16xf32>
      %swap3A_188 = vector.shape_cast %get3A_183 : vector<16xf32> to vector<1x16xf32>
      tpu.vector_store %arg7[%swap3A_184, %swap3A_185], %swap3A_188 {add = true, strides = array<i32>} : memref<512x112xf32, #tpu.memory_space<vmem>>, vector<1x16xf32>,
      %get3A_189 = arith.index_cast %scan3A_154 : i32 to index
      %get3A_190 = arith.constant 64 : index
      %get3A_191 = tpu.vector_load %arg8[%get3A_189, %get3A_190] {strides = array<i32>} : memref<512x112xf32, #tpu.memory_space<vmem>>, vector<1x16xf32>,
      %get3A_192 = vector.shape_cast %get3A_191 : vector<1x16xf32> to vector<16xf32>
      %swap3A_193 = arith.index_cast %scan3A_154 : i32 to index
      %swap3A_194 = arith.constant 64 : index
      %swap3A_195 = tpu.vector_load %arg7[%swap3A_193, %swap3A_194] {strides = array<i32>} : memref<512x112xf32, #tpu.memory_space<vmem>>, vector<1x16xf32>,
      %swap3A_196 = vector.shape_cast %swap3A_195 : vector<1x16xf32> to vector<16xf32>
      %swap3A_197 = vector.shape_cast %get3A_192 : vector<16xf32> to vector<1x16xf32>
      tpu.vector_store %arg7[%swap3A_193, %swap3A_194], %swap3A_197 {add = true, strides = array<i32>} : memref<512x112xf32, #tpu.memory_space<vmem>>, vector<1x16xf32>,
      %get3A_198 = arith.index_cast %scan3A_154 : i32 to index
      %get3A_199 = arith.constant 80 : index
      %get3A_200 = tpu.vector_load %arg8[%get3A_198, %get3A_199] {strides = array<i32>} : memref<512x112xf32, #tpu.memory_space<vmem>>, vector<1x16xf32>,
      %get3A_201 = vector.shape_cast %get3A_200 : vector<1x16xf32> to vector<16xf32>
      %swap3A_202 = arith.index_cast %scan3A_154 : i32 to index
      %swap3A_203 = arith.constant 80 : index
      %swap3A_204 = tpu.vector_load %arg7[%swap3A_202, %swap3A_203] {strides = array<i32>} : memref<512x112xf32, #tpu.memory_space<vmem>>, vector<1x16xf32>,
      %swap3A_205 = vector.shape_cast %swap3A_204 : vector<1x16xf32> to vector<16xf32>
      %swap3A_206 = vector.shape_cast %get3A_201 : vector<16xf32> to vector<1x16xf32>
      tpu.vector_store %arg7[%swap3A_202, %swap3A_203], %swap3A_206 {add = true, strides = array<i32>} : memref<512x112xf32, #tpu.memory_space<vmem>>, vector<1x16xf32>,
      %get3A_207 = arith.index_cast %scan3A_154 : i32 to index
      %get3A_208 = arith.constant 96 : index
      %get3A_209 = tpu.vector_load %arg8[%get3A_207, %get3A_208] {strides = array<i32>} : memref<512x112xf32, #tpu.memory_space<vmem>>, vector<1x16xf32>,
      %get3A_210 = vector.shape_cast %get3A_209 : vector<1x16xf32> to vector<16xf32>
      %swap3A_211 = arith.index_cast %scan3A_154 : i32 to index
      %swap3A_212 = arith.constant 96 : index
      %swap3A_213 = tpu.vector_load %arg7[%swap3A_211, %swap3A_212] {strides = array<i32>} : memref<512x112xf32, #tpu.memory_space<vmem>>, vector<1x16xf32>,
      %swap3A_214 = vector.shape_cast %swap3A_213 : vector<1x16xf32> to vector<16xf32>
      %swap3A_215 = vector.shape_cast %get3A_210 : vector<16xf32> to vector<1x16xf32>
      tpu.vector_store %arg7[%swap3A_211, %swap3A_212], %swap3A_215 {add = true, strides = array<i32>} : memref<512x112xf32, #tpu.memory_space<vmem>>, vector<1x16xf32>,
    }
    %scan3A_13 = arith.constant 512 : i32
    %dma_start3A_14 = arith.constant 0 : i32
    %dma_start3A_15 = arith.constant 0 : i32
    %dma_start3A_16 = tpu.memref_slice %arg7[%dma_start3A_14, %dma_start3A_15] : memref<512x112xf32, #tpu.memory_space<vmem>> -> memref<512x16xf32, #tpu.memory_space<vmem>>
    %dma_start3A_17 = arith.constant 0 : i32
    %dma_start3A_18 = tpu.memref_slice %arg5[%mul3A_2, %dma_start3A_17] : memref<16384x97xf32, #tpu.memory_space<hbm>> -> memref<512x16xf32, #tpu.memory_space<hbm>>
    %dma_start3A_19 = arith.constant 0 : i32
    %dma_start3A_20 = tpu.memref_slice %arg5[%mul3A_2, %dma_start3A_19] : memref<16384x97xf32, #tpu.memory_space<hbm>> -> memref<512x16xf32, #tpu.memory_space<hbm>>
    %dma_start3A_21 = arith.constant 0 : i32
    %dma_start3A_22 = arith.constant 0 : i32
    %dma_start3A_23 = tpu.memref_slice %arg7[%dma_start3A_21, %dma_start3A_22] : memref<512x112xf32, #tpu.memory_space<vmem>> -> memref<512x16xf32, #tpu.memory_space<vmem>>
    tpu.enqueue_dma source(%dma_start3A_23 : memref<512x16xf32, #tpu.memory_space<vmem>>) target(%dma_start3A_20 : memref<512x16xf32, #tpu.memory_space<hbm>>) target_semaphore(%arg11 : memref<!tpu.dma_semaphore, #tpu.memory_space<semaphore_mem>>)
    %dma_start3A_24 = arith.constant 0 : i32
    %dma_start3A_25 = arith.constant 16 : i32
    %dma_start3A_26 = tpu.memref_slice %arg7[%dma_start3A_24, %dma_start3A_25] : memref<512x112xf32, #tpu.memory_space<vmem>> -> memref<512x16xf32, #tpu.memory_space<vmem>>
    %dma_start3A_27 = arith.constant 16 : i32
    %dma_start3A_28 = tpu.memref_slice %arg5[%mul3A_2, %dma_start3A_27] : memref<16384x97xf32, #tpu.memory_space<hbm>> -> memref<512x16xf32, #tpu.memory_space<hbm>>
    %dma_start3A_29 = arith.constant 16 : i32
    %dma_start3A_30 = tpu.memref_slice %arg5[%mul3A_2, %dma_start3A_29] : memref<16384x97xf32, #tpu.memory_space<hbm>> -> memref<512x16xf32, #tpu.memory_space<hbm>>
    %dma_start3A_31 = arith.constant 0 : i32
    %dma_start3A_32 = arith.constant 16 : i32
    %dma_start3A_33 = tpu.memref_slice %arg7[%dma_start3A_31, %dma_start3A_32] : memref<512x112xf32, #tpu.memory_space<vmem>> -> memref<512x16xf32, #tpu.memory_space<vmem>>
    tpu.enqueue_dma source(%dma_start3A_33 : memref<512x16xf32, #tpu.memory_space<vmem>>) target(%dma_start3A_30 : memref<512x16xf32, #tpu.memory_space<hbm>>) target_semaphore(%arg11 : memref<!tpu.dma_semaphore, #tpu.memory_space<semaphore_mem>>)
    %dma_start3A_34 = arith.constant 0 : i32
    %dma_start3A_35 = arith.constant 32 : i32
    %dma_start3A_36 = tpu.memref_slice %arg7[%dma_start3A_34, %dma_start3A_35] : memref<512x112xf32, #tpu.memory_space<vmem>> -> memref<512x16xf32, #tpu.memory_space<vmem>>
    %dma_start3A_37 = arith.constant 32 : i32
    %dma_start3A_38 = tpu.memref_slice %arg5[%mul3A_2, %dma_start3A_37] : memref<16384x97xf32, #tpu.memory_space<hbm>> -> memref<512x16xf32, #tpu.memory_space<hbm>>
    %dma_start3A_39 = arith.constant 32 : i32
    %dma_start3A_40 = tpu.memref_slice %arg5[%mul3A_2, %dma_start3A_39] : memref<16384x97xf32, #tpu.memory_space<hbm>> -> memref<512x16xf32, #tpu.memory_space<hbm>>
    %dma_start3A_41 = arith.constant 0 : i32
    %dma_start3A_42 = arith.constant 32 : i32
    %dma_start3A_43 = tpu.memref_slice %arg7[%dma_start3A_41, %dma_start3A_42] : memref<512x112xf32, #tpu.memory_space<vmem>> -> memref<512x16xf32, #tpu.memory_space<vmem>>
    tpu.enqueue_dma source(%dma_start3A_43 : memref<512x16xf32, #tpu.memory_space<vmem>>) target(%dma_start3A_40 : memref<512x16xf32, #tpu.memory_space<hbm>>) target_semaphore(%arg11 : memref<!tpu.dma_semaphore, #tpu.memory_space<semaphore_mem>>)
    %dma_start3A_44 = arith.constant 0 : i32
    %dma_start3A_45 = arith.constant 48 : i32
    %dma_start3A_46 = tpu.memref_slice %arg7[%dma_start3A_44, %dma_start3A_45] : memref<512x112xf32, #tpu.memory_space<vmem>> -> memref<512x16xf32, #tpu.memory_space<vmem>>
    %dma_start3A_47 = arith.constant 48 : i32
    %dma_start3A_48 = tpu.memref_slice %arg5[%mul3A_2, %dma_start3A_47] : memref<16384x97xf32, #tpu.memory_space<hbm>> -> memref<512x16xf32, #tpu.memory_space<hbm>>
    %dma_start3A_49 = arith.constant 48 : i32
    %dma_start3A_50 = tpu.memref_slice %arg5[%mul3A_2, %dma_start3A_49] : memref<16384x97xf32, #tpu.memory_space<hbm>> -> memref<512x16xf32, #tpu.memory_space<hbm>>
    %dma_start3A_51 = arith.constant 0 : i32
    %dma_start3A_52 = arith.constant 48 : i32
    %dma_start3A_53 = tpu.memref_slice %arg7[%dma_start3A_51, %dma_start3A_52] : memref<512x112xf32, #tpu.memory_space<vmem>> -> memref<512x16xf32, #tpu.memory_space<vmem>>
    tpu.enqueue_dma source(%dma_start3A_53 : memref<512x16xf32, #tpu.memory_space<vmem>>) target(%dma_start3A_50 : memref<512x16xf32, #tpu.memory_space<hbm>>) target_semaphore(%arg11 : memref<!tpu.dma_semaphore, #tpu.memory_space<semaphore_mem>>)
    %dma_start3A_54 = arith.constant 0 : i32
    %dma_start3A_55 = arith.constant 64 : i32
    %dma_start3A_56 = tpu.memref_slice %arg7[%dma_start3A_54, %dma_start3A_55] : memref<512x112xf32, #tpu.memory_space<vmem>> -> memref<512x16xf32, #tpu.memory_space<vmem>>
    %dma_start3A_57 = arith.constant 64 : i32
    %dma_start3A_58 = tpu.memref_slice %arg5[%mul3A_2, %dma_start3A_57] : memref<16384x97xf32, #tpu.memory_space<hbm>> -> memref<512x16xf32, #tpu.memory_space<hbm>>
    %dma_start3A_59 = arith.constant 64 : i32
    %dma_start3A_60 = tpu.memref_slice %arg5[%mul3A_2, %dma_start3A_59] : memref<16384x97xf32, #tpu.memory_space<hbm>> -> memref<512x16xf32, #tpu.memory_space<hbm>>
    %dma_start3A_61 = arith.constant 0 : i32
    %dma_start3A_62 = arith.constant 64 : i32
    %dma_start3A_63 = tpu.memref_slice %arg7[%dma_start3A_61, %dma_start3A_62] : memref<512x112xf32, #tpu.memory_space<vmem>> -> memref<512x16xf32, #tpu.memory_space<vmem>>
    tpu.enqueue_dma source(%dma_start3A_63 : memref<512x16xf32, #tpu.memory_space<vmem>>) target(%dma_start3A_60 : memref<512x16xf32, #tpu.memory_space<hbm>>) target_semaphore(%arg11 : memref<!tpu.dma_semaphore, #tpu.memory_space<semaphore_mem>>)
    %dma_start3A_64 = arith.constant 0 : i32
    %dma_start3A_65 = arith.constant 80 : i32
    %dma_start3A_66 = tpu.memref_slice %arg7[%dma_start3A_64, %dma_start3A_65] : memref<512x112xf32, #tpu.memory_space<vmem>> -> memref<512x16xf32, #tpu.memory_space<vmem>>
    %dma_start3A_67 = arith.constant 80 : i32
    %dma_start3A_68 = tpu.memref_slice %arg5[%mul3A_2, %dma_start3A_67] : memref<16384x97xf32, #tpu.memory_space<hbm>> -> memref<512x16xf32, #tpu.memory_space<hbm>>
    %dma_start3A_69 = arith.constant 80 : i32
    %dma_start3A_70 = tpu.memref_slice %arg5[%mul3A_2, %dma_start3A_69] : memref<16384x97xf32, #tpu.memory_space<hbm>> -> memref<512x16xf32, #tpu.memory_space<hbm>>
    %dma_start3A_71 = arith.constant 0 : i32
    %dma_start3A_72 = arith.constant 80 : i32
    %dma_start3A_73 = tpu.memref_slice %arg7[%dma_start3A_71, %dma_start3A_72] : memref<512x112xf32, #tpu.memory_space<vmem>> -> memref<512x16xf32, #tpu.memory_space<vmem>>
    tpu.enqueue_dma source(%dma_start3A_73 : memref<512x16xf32, #tpu.memory_space<vmem>>) target(%dma_start3A_70 : memref<512x16xf32, #tpu.memory_space<hbm>>) target_semaphore(%arg11 : memref<!tpu.dma_semaphore, #tpu.memory_space<semaphore_mem>>)
    %dma_start3A_74 = arith.constant 0 : i32
    %dma_start3A_75 = arith.constant 96 : i32
    %dma_start3A_76 = tpu.memref_slice %arg7[%dma_start3A_74, %dma_start3A_75] : memref<512x112xf32, #tpu.memory_space<vmem>> -> memref<512x1xf32, #tpu.memory_space<vmem>>
    %dma_start3A_77 = arith.constant 96 : i32
    %dma_start3A_78 = tpu.memref_slice %arg5[%mul3A_2, %dma_start3A_77] : memref<16384x97xf32, #tpu.memory_space<hbm>> -> memref<512x1xf32, #tpu.memory_space<hbm>>
    %dma_start3A_79 = arith.constant 96 : i32
    %dma_start3A_80 = tpu.memref_slice %arg5[%mul3A_2, %dma_start3A_79] : memref<16384x97xf32, #tpu.memory_space<hbm>> -> memref<512x1xf32, #tpu.memory_space<hbm>>
    %dma_start3A_81 = arith.constant 0 : i32
    %dma_start3A_82 = arith.constant 96 : i32
    %dma_start3A_83 = tpu.memref_slice %arg7[%dma_start3A_81, %dma_start3A_82] : memref<512x112xf32, #tpu.memory_space<vmem>> -> memref<512x1xf32, #tpu.memory_space<vmem>>
    tpu.enqueue_dma source(%dma_start3A_83 : memref<512x1xf32, #tpu.memory_space<vmem>>) target(%dma_start3A_80 : memref<512x1xf32, #tpu.memory_space<hbm>>) target_semaphore(%arg11 : memref<!tpu.dma_semaphore, #tpu.memory_space<semaphore_mem>>)
    %dma_wait3A_84 = arith.constant 0 : i32
    %dma_wait3A_85 = arith.constant 0 : i32
    %dma_wait3A_86 = tpu.memref_slice %arg7[%dma_wait3A_84, %dma_wait3A_85] : memref<512x112xf32, #tpu.memory_space<vmem>> -> memref<512x16xf32, #tpu.memory_space<vmem>>
    %dma_wait3A_87 = arith.constant 0 : i32
    %dma_wait3A_88 = tpu.memref_slice %arg5[%mul3A_2, %dma_wait3A_87] : memref<16384x97xf32, #tpu.memory_space<hbm>> -> memref<512x16xf32, #tpu.memory_space<hbm>>
    %dma_wait3A_89 = arith.constant 0 : i32
    %dma_wait3A_90 = tpu.memref_slice %arg5[%mul3A_2, %dma_wait3A_89] : memref<16384x97xf32, #tpu.memory_space<hbm>> -> memref<512x16xf32, #tpu.memory_space<hbm>>
    %dma_wait3A_91 = arith.constant 0 : i32
    %dma_wait3A_92 = arith.constant 0 : i32
    %dma_wait3A_93 = tpu.memref_slice %arg7[%dma_wait3A_91, %dma_wait3A_92] : memref<512x112xf32, #tpu.memory_space<vmem>> -> memref<512x16xf32, #tpu.memory_space<vmem>>
    tpu.wait_dma2 semaphore(%arg11 : memref<!tpu.dma_semaphore, #tpu.memory_space<semaphore_mem>>) src(%dma_wait3A_93 : memref<512x16xf32, #tpu.memory_space<vmem>>) dst(%dma_wait3A_90 : memref<512x16xf32, #tpu.memory_space<hbm>>)
    %dma_wait3A_94 = arith.constant 0 : i32
    %dma_wait3A_95 = arith.constant 16 : i32
    %dma_wait3A_96 = tpu.memref_slice %arg7[%dma_wait3A_94, %dma_wait3A_95] : memref<512x112xf32, #tpu.memory_space<vmem>> -> memref<512x16xf32, #tpu.memory_space<vmem>>
    %dma_wait3A_97 = arith.constant 16 : i32
    %dma_wait3A_98 = tpu.memref_slice %arg5[%mul3A_2, %dma_wait3A_97] : memref<16384x97xf32, #tpu.memory_space<hbm>> -> memref<512x16xf32, #tpu.memory_space<hbm>>
    %dma_wait3A_99 = arith.constant 16 : i32
    %dma_wait3A_100 = tpu.memref_slice %arg5[%mul3A_2, %dma_wait3A_99] : memref<16384x97xf32, #tpu.memory_space<hbm>> -> memref<512x16xf32, #tpu.memory_space<hbm>>
    %dma_wait3A_101 = arith.constant 0 : i32
    %dma_wait3A_102 = arith.constant 16 : i32
    %dma_wait3A_103 = tpu.memref_slice %arg7[%dma_wait3A_101, %dma_wait3A_102] : memref<512x112xf32, #tpu.memory_space<vmem>> -> memref<512x16xf32, #tpu.memory_space<vmem>>
    tpu.wait_dma2 semaphore(%arg11 : memref<!tpu.dma_semaphore, #tpu.memory_space<semaphore_mem>>) src(%dma_wait3A_103 : memref<512x16xf32, #tpu.memory_space<vmem>>) dst(%dma_wait3A_100 : memref<512x16xf32, #tpu.memory_space<hbm>>)
    %dma_wait3A_104 = arith.constant 0 : i32
    %dma_wait3A_105 = arith.constant 32 : i32
    %dma_wait3A_106 = tpu.memref_slice %arg7[%dma_wait3A_104, %dma_wait3A_105] : memref<512x112xf32, #tpu.memory_space<vmem>> -> memref<512x16xf32, #tpu.memory_space<vmem>>
    %dma_wait3A_107 = arith.constant 32 : i32
    %dma_wait3A_108 = tpu.memref_slice %arg5[%mul3A_2, %dma_wait3A_107] : memref<16384x97xf32, #tpu.memory_space<hbm>> -> memref<512x16xf32, #tpu.memory_space<hbm>>
    %dma_wait3A_109 = arith.constant 32 : i32
    %dma_wait3A_110 = tpu.memref_slice %arg5[%mul3A_2, %dma_wait3A_109] : memref<16384x97xf32, #tpu.memory_space<hbm>> -> memref<512x16xf32, #tpu.memory_space<hbm>>
    %dma_wait3A_111 = arith.constant 0 : i32
    %dma_wait3A_112 = arith.constant 32 : i32
    %dma_wait3A_113 = tpu.memref_slice %arg7[%dma_wait3A_111, %dma_wait3A_112] : memref<512x112xf32, #tpu.memory_space<vmem>> -> memref<512x16xf32, #tpu.memory_space<vmem>>
    tpu.wait_dma2 semaphore(%arg11 : memref<!tpu.dma_semaphore, #tpu.memory_space<semaphore_mem>>) src(%dma_wait3A_113 : memref<512x16xf32, #tpu.memory_space<vmem>>) dst(%dma_wait3A_110 : memref<512x16xf32, #tpu.memory_space<hbm>>)
    %dma_wait3A_114 = arith.constant 0 : i32
    %dma_wait3A_115 = arith.constant 48 : i32
    %dma_wait3A_116 = tpu.memref_slice %arg7[%dma_wait3A_114, %dma_wait3A_115] : memref<512x112xf32, #tpu.memory_space<vmem>> -> memref<512x16xf32, #tpu.memory_space<vmem>>
    %dma_wait3A_117 = arith.constant 48 : i32
    %dma_wait3A_118 = tpu.memref_slice %arg5[%mul3A_2, %dma_wait3A_117] : memref<16384x97xf32, #tpu.memory_space<hbm>> -> memref<512x16xf32, #tpu.memory_space<hbm>>
    %dma_wait3A_119 = arith.constant 48 : i32
    %dma_wait3A_120 = tpu.memref_slice %arg5[%mul3A_2, %dma_wait3A_119] : memref<16384x97xf32, #tpu.memory_space<hbm>> -> memref<512x16xf32, #tpu.memory_space<hbm>>
    %dma_wait3A_121 = arith.constant 0 : i32
    %dma_wait3A_122 = arith.constant 48 : i32
    %dma_wait3A_123 = tpu.memref_slice %arg7[%dma_wait3A_121, %dma_wait3A_122] : memref<512x112xf32, #tpu.memory_space<vmem>> -> memref<512x16xf32, #tpu.memory_space<vmem>>
    tpu.wait_dma2 semaphore(%arg11 : memref<!tpu.dma_semaphore, #tpu.memory_space<semaphore_mem>>) src(%dma_wait3A_123 : memref<512x16xf32, #tpu.memory_space<vmem>>) dst(%dma_wait3A_120 : memref<512x16xf32, #tpu.memory_space<hbm>>)
    %dma_wait3A_124 = arith.constant 0 : i32
    %dma_wait3A_125 = arith.constant 64 : i32
    %dma_wait3A_126 = tpu.memref_slice %arg7[%dma_wait3A_124, %dma_wait3A_125] : memref<512x112xf32, #tpu.memory_space<vmem>> -> memref<512x16xf32, #tpu.memory_space<vmem>>
    %dma_wait3A_127 = arith.constant 64 : i32
    %dma_wait3A_128 = tpu.memref_slice %arg5[%mul3A_2, %dma_wait3A_127] : memref<16384x97xf32, #tpu.memory_space<hbm>> -> memref<512x16xf32, #tpu.memory_space<hbm>>
    %dma_wait3A_129 = arith.constant 64 : i32
    %dma_wait3A_130 = tpu.memref_slice %arg5[%mul3A_2, %dma_wait3A_129] : memref<16384x97xf32, #tpu.memory_space<hbm>> -> memref<512x16xf32, #tpu.memory_space<hbm>>
    %dma_wait3A_131 = arith.constant 0 : i32
    %dma_wait3A_132 = arith.constant 64 : i32
    %dma_wait3A_133 = tpu.memref_slice %arg7[%dma_wait3A_131, %dma_wait3A_132] : memref<512x112xf32, #tpu.memory_space<vmem>> -> memref<512x16xf32, #tpu.memory_space<vmem>>
    tpu.wait_dma2 semaphore(%arg11 : memref<!tpu.dma_semaphore, #tpu.memory_space<semaphore_mem>>) src(%dma_wait3A_133 : memref<512x16xf32, #tpu.memory_space<vmem>>) dst(%dma_wait3A_130 : memref<512x16xf32, #tpu.memory_space<hbm>>)
    %dma_wait3A_134 = arith.constant 0 : i32
    %dma_wait3A_135 = arith.constant 80 : i32
    %dma_wait3A_136 = tpu.memref_slice %arg7[%dma_wait3A_134, %dma_wait3A_135] : memref<512x112xf32, #tpu.memory_space<vmem>> -> memref<512x16xf32, #tpu.memory_space<vmem>>
    %dma_wait3A_137 = arith.constant 80 : i32
    %dma_wait3A_138 = tpu.memref_slice %arg5[%mul3A_2, %dma_wait3A_137] : memref<16384x97xf32, #tpu.memory_space<hbm>> -> memref<512x16xf32, #tpu.memory_space<hbm>>
    %dma_wait3A_139 = arith.constant 80 : i32
    %dma_wait3A_140 = tpu.memref_slice %arg5[%mul3A_2, %dma_wait3A_139] : memref<16384x97xf32, #tpu.memory_space<hbm>> -> memref<512x16xf32, #tpu.memory_space<hbm>>
    %dma_wait3A_141 = arith.constant 0 : i32
    %dma_wait3A_142 = arith.constant 80 : i32
    %dma_wait3A_143 = tpu.memref_slice %arg7[%dma_wait3A_141, %dma_wait3A_142] : memref<512x112xf32, #tpu.memory_space<vmem>> -> memref<512x16xf32, #tpu.memory_space<vmem>>
    tpu.wait_dma2 semaphore(%arg11 : memref<!tpu.dma_semaphore, #tpu.memory_space<semaphore_mem>>) src(%dma_wait3A_143 : memref<512x16xf32, #tpu.memory_space<vmem>>) dst(%dma_wait3A_140 : memref<512x16xf32, #tpu.memory_space<hbm>>)
    %dma_wait3A_144 = arith.constant 0 : i32
    %dma_wait3A_145 = arith.constant 96 : i32
    %dma_wait3A_146 = tpu.memref_slice %arg7[%dma_wait3A_144, %dma_wait3A_145] : memref<512x112xf32, #tpu.memory_space<vmem>> -> memref<512x1xf32, #tpu.memory_space<vmem>>
    %dma_wait3A_147 = arith.constant 96 : i32
    %dma_wait3A_148 = tpu.memref_slice %arg5[%mul3A_2, %dma_wait3A_147] : memref<16384x97xf32, #tpu.memory_space<hbm>> -> memref<512x1xf32, #tpu.memory_space<hbm>>
    %dma_wait3A_149 = arith.constant 96 : i32
    %dma_wait3A_150 = tpu.memref_slice %arg5[%mul3A_2, %dma_wait3A_149] : memref<16384x97xf32, #tpu.memory_space<hbm>> -> memref<512x1xf32, #tpu.memory_space<hbm>>
    %dma_wait3A_151 = arith.constant 0 : i32
    %dma_wait3A_152 = arith.constant 96 : i32
    %dma_wait3A_153 = tpu.memref_slice %arg7[%dma_wait3A_151, %dma_wait3A_152] : memref<512x112xf32, #tpu.memory_space<vmem>> -> memref<512x1xf32, #tpu.memory_space<vmem>>
    tpu.wait_dma2 semaphore(%arg11 : memref<!tpu.dma_semaphore, #tpu.memory_space<semaphore_mem>>) src(%dma_wait3A_153 : memref<512x1xf32, #tpu.memory_space<vmem>>) dst(%dma_wait3A_150 : memref<512x1xf32, #tpu.memory_space<hbm>>)
    return
  }
}

module attributes {stable_mosaic.version = 14 : i64} {
  func.func @_tc_body(%arg0: i32, %arg1: memref<8192x200xf32, #tpu.memory_space<vmem>>, %arg2: memref<200x112xf32, #tpu.memory_space<vmem>>, %arg3: memref<8192x112xf32, #tpu.memory_space<vmem>>, %arg4: memref<8192x1xi32, #tpu.memory_space<vmem>>) attributes {dimension_semantics = [#tpu.dimension_semantics<arbitrary>], iteration_bounds = array<i64: 2>, scalar_prefetch = 0 : i64, scratch_operands = 0 : i64, tpu.core_type = #tpu.core_type<tc>, window_params = [{transform_indices = @transform_0, window_bounds = array<i64: 8192, 200>}, {pipeline_mode = #tpu.pipeline_mode<synchronous>, transform_indices = @transform_1, window_bounds = array<i64: 200, 112>}, {transform_indices = @transform_2, window_bounds = array<i64: 8192, 112>}, {transform_indices = @transform_3, window_bounds = array<i64: 8192, 1>}]} {
    %get3A = arith.constant 0 : index
    %get3A_0 = arith.constant 0 : index
    %get3A_1 = vector.load %arg1[%get3A, %get3A_0] : memref<8192x200xf32, #tpu.memory_space<vmem>>, vector<8192x200xf32>
    %get3A_2 = arith.constant 0 : index
    %get3A_3 = arith.constant 0 : index
    %get3A_4 = vector.load %arg2[%get3A_2, %get3A_3] : memref<200x112xf32, #tpu.memory_space<vmem>>, vector<200x112xf32>
    %dot_general3A = arith.constant dense<0.000000e+00> : vector<8192x112xf32>
    %dot_general3A_5 = tpu.matmul %get3A_1, %get3A_4, %dot_general3A {dimension_numbers = #tpu.dot_dimension_numbers<[1], [0], [0], [1], [0, 0, 1, 1], [], []>, transpose_lhs_hint = false} : vector<8192x200xf32>, vector<200x112xf32>, vector<8192x112xf32> -> vector<8192x112xf32>
    %swap3A = arith.constant 0 : index
    %swap3A_6 = arith.constant 0 : index
    %swap3A_7 = vector.load %arg3[%swap3A, %swap3A_6] : memref<8192x112xf32, #tpu.memory_space<vmem>>, vector<8192x112xf32>
    tpu.vector_store %arg3[%swap3A, %swap3A_6], %dot_general3A_5 {strides = array<i32>} : memref<8192x112xf32, #tpu.memory_space<vmem>>, vector<8192x112xf32>,
    %slice3A = vector.extract_strided_slice %get3A_1 {offsets = [0, 0], sizes = [8192, 1], strides = [1, 1]} : vector<8192x200xf32> to vector<8192x1xf32>
    %convert_element_type3A = arith.fptosi %slice3A : vector<8192x1xf32> to vector<8192x1xi32>
    %swap3A_8 = arith.constant 0 : index
    %swap3A_9 = arith.constant 0 : index
    %swap3A_10 = vector.load %arg4[%swap3A_8, %swap3A_9] : memref<8192x1xi32, #tpu.memory_space<vmem>>, vector<8192x1xi32>
    tpu.vector_store %arg4[%swap3A_8, %swap3A_9], %convert_element_type3A {strides = array<i32>} : memref<8192x1xi32, #tpu.memory_space<vmem>>, vector<8192x1xi32>,
    return
  }
  func.func @transform_0(%arg0: i32) -> (i32, i32) {
    %c0_i32 = arith.constant 0 : i32
    %c0_i32_0 = arith.constant 0 : i32
    return %arg0, %c0_i32 : i32, i32
  }
  func.func @transform_1(%arg0: i32) -> (i32, i32) {
    %c0_i32 = arith.constant 0 : i32
    %c0_i32_0 = arith.constant 0 : i32
    %c0_i32_1 = arith.constant 0 : i32
    return %c0_i32, %c0_i32_0 : i32, i32
  }
  func.func @transform_2(%arg0: i32) -> (i32, i32) {
    %c0_i32 = arith.constant 0 : i32
    %c0_i32_0 = arith.constant 0 : i32
    return %arg0, %c0_i32 : i32, i32
  }
  func.func @transform_3(%arg0: i32) -> (i32, i32) {
    %c0_i32 = arith.constant 0 : i32
    %c0_i32_0 = arith.constant 0 : i32
    return %arg0, %c0_i32 : i32, i32
  }
}

</mosaic_0001>

<sc_bundles>
// kernel: kernel.4.cloned.1.call-start
scs
__scs_entry_jumppad:
0x0: {  	(pc) =	sbr.rel $0x88, $3  }
0x1: {  	(tag) =	ssettag $0x0;
	lr =	simm.s32 $0x1  }
0x2: {  	[smem:$0x3F9D] =	sst lr;
	_ =	strace $0xD0000000  }
0x3: {  	_ = 	snop  }
0x4: {  	_ = 	snop  }
0x5: {  	_ = 	snop  }
0x6: {  	_ = 	snop  }
0x7: {  	_ = 	snop  }
__scs_overlays_trampoline_lowered:
0x8: {  	[smem:$0x3FAC] =	sst s0  }
0x9: {  	[smem:$0x3FAD] =	sst s1  }
0xa: {  	[smem:$0x3FAE] =	sst s2  }
0xb: {  	[smem:$0x3FAF] =	sst s3  }
0xc: {  	[smem:$0x3FB0] =	sst s4  }
0xd: {  	[smem:$0x3FB1] =	sst s5  }
0xe: {  	[smem:$0x3FB2] =	sst s6  }
0xf: {  	[smem:$0x3FB3] =	sst s7  }
0x10: {  	[smem:$0x3FB4] =	sst s8  }
0x11: {  	[smem:$0x3FB5] =	sst s9;
	s0 =	simm.s32 @!p0 $0x0  }
0x12: {  	s1 =	sld [smem:$0x3F9B];
	s0 =	simm.s32 @p0 $0x1  }
0x13: {  	[smem:$0x3FB6] =	sst s0;
	s0 =	simm.s32 @!p1 $0x0  }
0x14: {  	s2 =	sld [smem:$0x3F9A];
	s0 =	simm.s32 @p1 $0x1  }
0x15: {  	[smem:$0x3FB7] =	sst s0;
	s0 =	simm.s32 @!p2 $0x0  }
0x16: {  	s3 =	sld [smem:$0x3FDB];
	s0 =	simm.s32 @p2 $0x1  }
0x17: {  	s4 =	simm.s32 $0x1BF5;
	[smem:$0x3FB9] =	sst s0  }
0x18: {  	s0 =	sld [smem:$0x3F9C];
	_ =	swait.ge [sflag:s4], $0x0  }
0x19: {  	s7 =	sld [smem:$0x3F9D]  }
0x1a: {  	s8 =	sadd.s32 $0xFFFFE003, lr  }
0x1b: {  	s9 =	sadd.s32 $0xFFFFFEF7, lr;
	s5 =	simm.s32 $0xFFFFFFFF;
	p2 =	slt.u32 s8, $0xFFFFF086  }
0x1c: {  	p1 =	slt.u32 s9, $0xF7A;
	s5 =	simm.s32 @!p2 $0x0  }
0x1d: {  	s5 =	simm.s32 @p1 $0x1;
	p0 =	seq.s32 s7, s2  }
0x1e: {  	s7 =	smul.u32 @!p0 $0xF7A, s2;
	p2 =	seq.s32 @!p0 s5, $0x0  }
0x1f: {  	s9 =	smul.u32 $0xF7A, s1;
	s8 =	simm.s32 @!p0 $0x1BF5;
	p2 =	por !p2, p0  }
0x20: {  	[sflag:s8] =	ssyncset.s32 @!p0 $0xFFFFF086;
	s6 =	sadd.s32 @!p0 s3, s7;
	s7 =	simm.s32 @!p0 $0x108  }
0x21: {  	s3 =	sadd.s32 s3, s9;
	s6 =	sadd.s32 @!p0 $0x88, s6;
	s7 =	simm.s32 @p2 $0x1082  }
0x22: {  	[simem:s7], [sflag:s8] =	dma.local @!p0 [hbm:s6], $0xF7A  }
0x23: {  	s9 =	sor.u32 $0xD0000000, s2;
	s6 =	simm.s32 $0x108;
	_ =	swait.ge @!p0 [sflag:s8], $0x0  }
0x24: {  	s3 =	sadd.s32 $0x88, s3;
	s6 =	simm.s32 @!p1 $0x1082;
	[sflag:s4] =	ssyncset.s32 $0xFFFFF086  }
0x25: {  	[simem:s6], [sflag:s4] =	dma.local [hbm:s3], $0xF7A  }
0x26: {  	[smem:$0x3F9D] =	sst s1;
	(tag) =	ssettag s2;
	_ =	strace s9  }
0x27: {  	s1 =	sld [smem:$0x3FAD]  }
0x28: {  	s2 =	sld [smem:$0x3FAE]  }
0x29: {  	s4 =	sld [smem:$0x3FB0]  }
0x2a: {  	p0 =	seq.s32 s5, $0x0;
	s5 =	sld [smem:$0x3FB1]  }
0x2b: {  	s6 =	sld [smem:$0x3FB2]  }
0x2c: {  	s7 =	sld [smem:$0x3FB3]  }
0x2d: {  	s3 =	simm.s32 $0x108;
	s8 =	sld [smem:$0x3FB4]  }
0x2e: {  	s3 =	simm.s32 @!p0 $0x1082;
	s9 =	sld [smem:$0x3FB5]  }
0x2f: {  	lr =	sadd.s32 s0, s3;
	s0 =	sld [smem:$0x3FAC]  }
0x30: {  	s3 =	sld [smem:$0x3FAF]  }
0x31: {  	[smem:$0x3FB8] =	sst s10  }
0x32: {  	s10 =	sld [smem:$0x3FB6];
	_ =	sdelay $0x3  }
0x33: {  	p0 =	seq.s32 s10, $0x1;
	s10 =	sld [smem:$0x3FB8];
	_ =	sdelay $0x3  }
0x34: {  	[smem:$0x3FB8] =	sst s10  }
0x35: {  	s10 =	sld [smem:$0x3FB7];
	_ =	sdelay $0x3  }
0x36: {  	p1 =	seq.s32 s10, $0x1;
	s10 =	sld [smem:$0x3FB8];
	_ =	sdelay $0x3  }
0x37: {  	[smem:$0x3FB8] =	sst s10  }
0x38: {  	s10 =	sld [smem:$0x3FB9]  }
0x39: {  	_ = 	snop;
	(pc) =	sbr.ind lr, $3  }
0x3a: {  	_ = 	snop  }
0x3b: {  	_ = 	snop  }
0x3c: {  	p2 =	seq.s32 s10, $0x1;
	s10 =	sld [smem:$0x3FB8]  }
0x3d: {  	_ =	shalt  }
0x3e: {  	_ =	shalt  }
0x3f: {  	_ =	shalt  }
0x40: {  	_ =	shalt  }
0x41: {  	_ =	shalt  }
0x42: {  	_ =	shalt  }
0x43: {  	_ =	shalt  }
0x44: {  	_ =	shalt  }
0x45: {  	_ =	shalt  }
0x46: {  	_ =	shalt  }
0x47: {  	_ =	shalt  }
0x48: {  	_ =	shalt  }
0x49: {  	_ =	shalt  }
0x4a: {  	_ =	shalt  }
0x4b: {  	_ =	shalt  }
0x4c: {  	_ =	shalt  }
0x4d: {  	_ =	shalt  }
0x4e: {  	_ =	shalt  }
0x4f: {  	_ =	shalt  }
0x50: {  	_ =	shalt  }
0x51: {  	_ =	shalt  }
0x52: {  	_ =	shalt  }
0x53: {  	_ =	shalt  }
0x54: {  	_ =	shalt  }
0x55: {  	_ =	shalt  }
0x56: {  	_ =	shalt  }
0x57: {  	_ =	shalt  }
0x58: {  	_ =	shalt  }
0x59: {  	_ =	shalt  }
0x5a: {  	_ =	shalt  }
0x5b: {  	_ =	shalt  }
0x5c: {  	_ =	shalt  }
0x5d: {  	_ =	shalt  }
0x5e: {  	_ =	shalt  }
0x5f: {  	_ =	shalt  }
0x60: {  	_ =	shalt  }
0x61: {  	_ =	shalt  }
0x62: {  	_ =	shalt  }
0x63: {  	_ =	shalt  }
0x64: {  	_ =	shalt  }
0x65: {  	_ =	shalt  }
0x66: {  	_ =	shalt  }
0x67: {  	_ =	shalt  }
0x68: {  	_ =	shalt  }
0x69: {  	_ =	shalt  }
0x6a: {  	_ =	shalt  }
0x6b: {  	_ =	shalt  }
0x6c: {  	_ =	shalt  }
0x6d: {  	_ =	shalt  }
0x6e: {  	_ =	shalt  }
0x6f: {  	_ =	shalt  }
0x70: {  	_ =	shalt  }
0x71: {  	_ =	shalt  }
0x72: {  	_ =	shalt  }
0x73: {  	_ =	shalt  }
0x74: {  	_ =	shalt  }
0x75: {  	_ =	shalt  }
0x76: {  	_ =	shalt  }
0x77: {  	_ =	shalt  }
0x78: {  	_ =	shalt  }
0x79: {  	_ =	shalt  }
0x7a: {  	_ =	shalt  }
0x7b: {  	_ =	shalt  }
0x7c: {  	_ =	shalt  }
0x7d: {  	_ =	shalt  }
0x7e: {  	_ =	shalt  }
0x7f: {  	_ =	shalt  }
0x80: {  	_ =	shalt  }
0x81: {  	_ =	shalt  }
0x82: {  	_ =	shalt  }
0x83: {  	_ =	shalt  }
0x84: {  	_ =	shalt  }
0x85: {  	_ =	shalt  }
0x86: {  	_ =	shalt  }
0x87: {  	_ =	shalt  }
.Lfunc_end0:
.L_simem_size_0:
called_computation_lowered:
.L_overlay_start_0:
0x88: {  	s2 =	sld [smem:$0x3FD9]  }
0x89: {  	s3 =	sld [smem:$0x3FFE];
	_ =	sdelay $0x1  }
0x8a: {  	s1 =	srdreg.scid  }
0x8b: {  	s0 =	sand.u32 $0x1, s1  }
0x8c: {  	s17 =	sshll.u32 s0, $0xA;
	s2 =	sadd.s32 s3, s2  }
0x8d: {  	s2 =	sadd.s32 s2, s17  }
0x8e: {  	[smem:$0x3FC4] =	sst s2  }
0x8f: {  	_ = 	snop  }
0x90: {  	s2 =	sld [smem:$0x3FD0];
	(tm) =	ssettm $0x1  }
0x91: {  	s18 =	sld [smem:$0x3FFB];
	_ =	sdelay $0x3  }
0x92: {  	_ =	strace s18  }
0x93: {  	s3 =	sld [smem:$0x3FFC];
	_ =	sdelay $0x3  }
0x94: {  	_ =	strace s3  }
0x95: {  	s3 =	sld [smem:$0x3FFD];
	_ =	sdelay $0x3  }
0x96: {  	_ =	strace s3  }
0x97: {  	_ =	strace $0x8FFFFFFF  }
0x98: {  	s19 =	sld [smem:$0x3FDB];
	_ =	sdelay $0x1  }
0x99: {  	s4 =	simm.s32 $_scs_section_size  }
0x9a: {  	s5 =	simm.s32 $_size__tile_overlayer_lowered;
	s6 =	simm.s32 $_tile_overlayer_lowered  }
0x9b: {  	s22 =	simm.s32 $0x1BFF;
	s21 =	sshll.u32 s6, $0x1;
	s3 =	sadd.s32 s4, s19  }
0x9c: {  	s7 =	simm.s32 $0x0;
	s20 =	sshll.u32 s5, $0x1;
	s5 =	sadd.s32 s21, s3  }
0x9d: {  	[timem:s7], [sflag:s22] =	dma.local [hbm:s5], s20  }
0x9e: {  	_ =	swait.ge [sflag:s22], s20  }
0x9f: {  	s4 =	ssub.s32 $0x0, s20;
	[sflag:s22] =	ssyncset.done $0x0  }
0xa0: {  	[sflag:s22] =	ssyncadd.s32 s4;
	_ =	sdelay $0x1  }
0xa1: {  	s23 =	simm.s32 $0x1B8B  }
0xa2: {  	_ =	swait.ge [sflag:s23], $0x1  }
0xa3: {  	[sflag:s23] =	ssyncset.done $0x0  }
0xa4: {  	s25 =	simm.s32 $0x1B8E;
	s24 =	sld [smem:$0x3FFE];
	[sflag:s23] =	ssyncadd.s32 $0xFFFFFFFF  }
0xa5: {  	s26 =	simm.s32 $execute0_lowered;
	[smem:$0x3FD2] =	sst s25  }
0xa6: {  	s5 =	sshll.u32 s26, $0x1;
	_ =	strace $0x80000046;
	[dreg:$0x1] =	wrdreg $0xFFFFFFFF  }
0xa7: {  	s28 =	simm.s32 $_size_execute0_lowered;
	s3 =	sadd.s32 s3, s5;
	[dreg:$0x0] =	wrdreg $0x0  }
0xa8: {  	s5 =	sshll.u32 s28, $0x1;
	[dreg:$0x2] =	wrdreg s3  }
0xa9: {  	[dreg:$0x3] =	wrdreg s5  }
0xaa: {  	[dreg:$0x4] =	wrdreg $0xC0  }
0xab: {  	_ =	task [dreg:s7], $0x5FFFF  }
0xac: {  	[dreg:$0x1] =	wrdreg $0xFFFFFFFF  }
0xad: {  	[dreg:$0x0] =	wrdreg $0x60  }
0xae: {  	[dreg:$0x2] =	wrdreg s24  }
0xaf: {  	[dreg:$0x3] =	wrdreg s2  }
0xb0: {  	[dreg:$0x4] =	wrdreg $0x1C2000  }
0xb1: {  	[dreg:$0x5] =	wrdreg $0x9  }
0xb2: {  	_ =	task.clear_ibuf [dreg:s7], $0x6FFFF;
	_ =	strace $0x90000046  }
0xb3: {  	s29 =	simm.s32 $0x9;
	_ =	strace $0x80000048  }
0xb4: {  	_ =	swait.ge [sflag:s29], $0x1  }
0xb5: {  	[sflag:s29] =	ssyncadd.s32 $0xFFFFFFFF  }
0xb6: {  	_ =	strace $0x90000048  }
0xb7: {  	_ =	sfence  }
0xb8: {  	s30 =	sld [smem:$0x0];
	_ =	sdelay $0x2  }
0xb9: {  	s31 =	sshll.u32 s1, $0xD;
	s1 =	sshrl.u32 s1, $0x2  }
0xba: {  	s3 =	sand.u32 $0x4000, s31;
	s1 =	sadd.s32 s1, s30  }
0xbb: {  	s0 =	sor.u32 s3, s0;
	s1 =	sshll.u32 s1, $0x11  }
0xbc: {  	s0 =	sor.u32 s1, s0  }
0xbd: {  	s0 =	sadd.s32 $0x8F2B, s0  }
0xbe: {  	[sflag:s0] =	ssyncadd.remote.s32 $0x1  }
0xbf: {  	_ =	sfence.sel $0xFFFF  }
0xc0: {  	[dreg:$0x0] =	wrdreg $0xFFFFFFFF;
	(pc) =	sbr.abs _section_cstart, $3  }
0xc1: {  	[dreg:$0x1] =	wrdreg $0xFFFFFFFF  }
0xc2: {  	_ =	task.clear_ibuf [dreg:s7], $0x2FFFF;
	_ =	strace $0x9FFFFFFF  }
0xc3: {  	(tm) =	ssettm $0x7FFFFFFF  }
tec
execute0_lowered:
.L_overlay_start_1:
0x0: {  	(tag) =	ssettag $0x1  }
0x1: {  	s3 =	rddreg [dreg:$0x0]  }
0x2: {  	s0 =	srdreg.scid;
	s6 =	rddreg [dreg:$0x1]  }
0x3: {  	s14 =	stileid.u32;
	s1 =	rddreg [dreg:$0x2];
	s2 =	simm.s32 $0x0  }
0x4: {  	s16 =	simm.s32 $0x200;
	s17 =	simm.s32 $0xE200;
	s18 =	simm.s32 $0x1  }
0x5: {  	s19 =	simm.s32 $0x2;
	s4 =	sand.u32 $0x1, s0;
	s0 =	rddreg [dreg:$0x3]  }
0x6: {  	s20 =	simm.s32 $0x0;
	s30 =	sshll.u32 s14, $0x1;
	[smem:$0x7FF] =	sst s2  }
0x7: {  	p0 =	sne.s32 s14, $0x0;
	s14 =	simm.s32 $0x3;
	s5 =	sor.u32 s4, s30  }
0x8: {  	_ =	strace $0x80000047;
	s4 =	ssub.s32 $0x2, s4;
	s15 =	sshrl.u32 @!p0 s1, $0x3  }
0x9: {  	s7 =	smul.u32 $0x1C00, s5;
	s8 =	sshll.u32 s5, $0x6;
	s9 =	sshrl.u32 s4, $0x1  }
0xa: {  	s10 =	smul.u32 $0x1A00, s5;
	s31 =	sadd.s32 s8, s3;
	s13 =	ssub.s32 s4, s9  }
0xb: {  	s7 =	sadd.s32 s7, s3;
	s3 =	sadd.s32 $0x38200, s3;
	s4 =	sadd.s32 $0x38400, s31  }
0xc: {  	s6 =	sadd.s32 s6, s10;
	s13 =	smax.u32 s13, $0x1;
	s5 =	sadd.s32 $0x200, s7  }
0xd: {  	s7 =	sadd.s32 $0x2, s6;
	s8 =	sadd.s32 $0x4, s6;
	s9 =	sadd.s32 $0x6, s6  }
0xe: {  	s10 =	sadd.s32 $0x8, s6;
	s11 =	sadd.s32 $0xA, s6;
	s12 =	sadd.s32 $0xC, s6  }
.LBB2_1:
0xf: {  	[tilespmem:s2], [sflag:$0x3] =	stream.linear.gather [hbm4b:s4+s2], $0x200, $0x38;
	[tilespmem:$0x1C290] =	vst v63  }
0x10: {  	_ =	swait.ge [sflag:s14], $0x200  }
0x11: {  	[sflag:s14] =	ssyncset.done $0x0  }
0x12: {  	s21 =	simm.s32 @!p0 $0x1C03;
	[sflag:s14] =	ssyncadd.s32 $0xFFFFFE00  }
0x13: {  	[spmem:s15], [sflag:s21] =	dma.local @!p0 [hbm:s3], $0x118  }
0x14: {  	s21 =	simm.s32 @!p0 $0x3  }
0x15: {  	_ =	swait.ge @!p0 [sflag:s21], $0x118  }
0x16: {  	[sflag:s21] =	ssyncset.done @!p0 $0x0  }
0x17: {  	[sflag:s21] =	ssyncadd.s32 @!p0 $0xFFFFFEE8  }
0x18: {  	[bflag:$0x0] =	sbarrier.arrive $0xFFFF  }
0x19: {  	[tilespmem:s16], [sflag:$0x1] =	stream.indirect.gather [spmem:s1], $0x70, s2, s16, $0xb8;
	[tilespmem:$0x1C290] =	vst v63  }
0x1a: {  	_ = 	snop  }
0x1b: {  	[tilespmem:s17], [sflag:$0x3] =	stream.linear.gather [hbm4b:s5+s2], $0xE000, $0x38;
	[tilespmem:$0x1C290] =	vst v63  }
0x1c: {  	_ =	swait.ge [sflag:s14], $0xE000  }
0x1d: {  	[sflag:s14] =	ssyncset.done $0x0  }
0x1e: {  	[sflag:s14] =	ssyncadd.s32 $0xFFFF2000  }
0x1f: {  	_ =	swait.ge [sflag:s18], $0xE000  }
0x20: {  	[sflag:s18] =	ssyncset.done $0x0  }
0x21: {  	s22 =	simm.s32 $0x1C0;
	s21 =	simm.s32 $0x0;
	[sflag:s18] =	ssyncadd.s32 $0xFFFF2000  }
.LBB2_2:
0x22: {  	p1 =	sne.s32 s22, $0x37E40;
	v0 =	vld [tilespmem:s21+$0xE260]  }
0x23: {  	v1 =	vld [tilespmem:s21+$0xE200]  }
0x24: {  	v2 =	vld [tilespmem:s21+$0xE210]  }
0x25: {  	v3 =	vld [tilespmem:s21+$0xE220]  }
0x26: {  	v4 =	vld [tilespmem:s21+$0xE230]  }
0x27: {  	[tilespmem:s21+$0x260] =	vst.add.f32.msk $0xffff, v0  }
0x28: {  	v0 =	vld [tilespmem:s21+$0xE240]  }
0x29: {  	v5 =	vld [tilespmem:s21+$0xE250]  }
0x2a: {  	[tilespmem:s21+$0x200] =	vst.add.f32.msk $0xffff, v1  }
.Ltmp0:
0x2b: {  	[tilespmem:s21+$0x210] =	vst.add.f32.msk $0xffff, v2;
	(pc) =	sbr.rel @p1 .LBB2_2-.Ltmp0, $4  }
0x2c: {  	[tilespmem:s21+$0x220] =	vst.add.f32.msk $0xffff, v3  }
0x2d: {  	[tilespmem:s21+$0x230] =	vst.add.f32.msk $0xffff, v4  }
0x2e: {  	[tilespmem:s21+$0x240] =	vst.add.f32.msk $0xffff, v0  }
0x2f: {  	[tilespmem:s21+$0x250] =	vst.add.f32.msk $0xffff, v5;
	s21 =	sshra.s32 s22, $0x2;
	s22 =	sadd.s32 $0x1C0, s22  }
0x30: {  	v0 =	vld [tilespmem:s21+$0xE260]  }
0x31: {  	v1 =	vld [tilespmem:s21+$0xE200]  }
0x32: {  	v2 =	vld [tilespmem:s21+$0xE210]  }
0x33: {  	v3 =	vld [tilespmem:s21+$0xE220]  }
0x34: {  	v4 =	vld [tilespmem:s21+$0xE230]  }
0x35: {  	v63 =	vld [tilespmem:s21+$0xE240]  }
0x36: {  	v5 =	vld [tilespmem:s21+$0xE250]  }
0x37: {  	[tilespmem:s21+$0x260] =	vst.add.f32.msk $0xffff, v0  }
0x38: {  	[tilespmem:s21+$0x200] =	vst.add.f32.msk $0xffff, v1  }
0x39: {  	[tilespmem:s21+$0x210] =	vst.add.f32.msk $0xffff, v2  }
0x3a: {  	[tilespmem:s21+$0x220] =	vst.add.f32.msk $0xffff, v3  }
0x3b: {  	[tilespmem:s21+$0x230] =	vst.add.f32.msk $0xffff, v4  }
0x3c: {  	s22 =	simm.s32 $0x200;
	[tilespmem:s21+$0x240] =	vst.add.f32.msk $0xffff, v63  }
0x3d: {  	s24 =	sadd.s32 $0x0, s6;
	s23 =	simm.s32 $0x270;
	[tilespmem:s21+$0x250] =	vst.add.f32.msk $0xffff, v5;
	s21 =	simm.s32 $0xD  }
.LBB2_4:
0x3e: {  	[hbm4b:s24+s2] =	stream.linear.scatter [tilespmem:s22], [sflag:$0x2], $0x10, $0x38;
	[tilespmem:$0x1C290] =	vst v63  }
0x3f: {  	s24 =	smov.u32 s21;
	s22 =	smov.u32 s23;
	p1 =	sne.s32 s21, $0x19F3  }
.Ltmp1:
0x40: {  	s21 =	sadd.s32 $0xD, s21;
	(pc) =	sbr.rel @p1 .LBB2_4-.Ltmp1, $2  }
0x41: {  	_ =	sdelay $0x2  }
0x42: {  	s23 =	sadd.s32 $0x70, s23;
	s24 =	sadd.s32 s24, s6  }
0x43: {  	[hbm4b:s24+s2] =	stream.linear.scatter [tilespmem:s22], [sflag:$0x2], $0x10, $0x38;
	[tilespmem:$0x1C290] =	vst v63  }
0x44: {  	s21 =	simm.s32 $0x210  }
0x45: {  	s22 =	simm.s32 $0xD;
	s24 =	sadd.s32 $0x0, s7;
	s23 =	simm.s32 $0x280  }
.LBB2_6:
0x46: {  	[hbm4b:s24+s2] =	stream.linear.scatter [tilespmem:s21], [sflag:$0x2], $0x10, $0x38;
	[tilespmem:$0x1C290] =	vst v63  }
0x47: {  	s24 =	smov.u32 s22;
	s21 =	smov.u32 s23;
	p1 =	sne.s32 s22, $0x19F3  }
.Ltmp2:
0x48: {  	s22 =	sadd.s32 $0xD, s22;
	(pc) =	sbr.rel @p1 .LBB2_6-.Ltmp2, $2  }
0x49: {  	_ =	sdelay $0x2  }
0x4a: {  	s23 =	sadd.s32 $0x70, s23;
	s24 =	sadd.s32 s24, s7  }
0x4b: {  	[hbm4b:s24+s2] =	stream.linear.scatter [tilespmem:s21], [sflag:$0x2], $0x10, $0x38;
	[tilespmem:$0x1C290] =	vst v63  }
0x4c: {  	s21 =	simm.s32 $0x220  }
0x4d: {  	s22 =	simm.s32 $0xD;
	s24 =	sadd.s32 $0x0, s8;
	s23 =	simm.s32 $0x290  }
.LBB2_8:
0x4e: {  	[hbm4b:s24+s2] =	stream.linear.scatter [tilespmem:s21], [sflag:$0x2], $0x10, $0x38;
	[tilespmem:$0x1C290] =	vst v63  }
0x4f: {  	s24 =	smov.u32 s22;
	s21 =	smov.u32 s23;
	p1 =	sne.s32 s22, $0x19F3  }
.Ltmp3:
0x50: {  	s22 =	sadd.s32 $0xD, s22;
	(pc) =	sbr.rel @p1 .LBB2_8-.Ltmp3, $2  }
0x51: {  	_ =	sdelay $0x2  }
0x52: {  	s23 =	sadd.s32 $0x70, s23;
	s24 =	sadd.s32 s24, s8  }
0x53: {  	[hbm4b:s24+s2] =	stream.linear.scatter [tilespmem:s21], [sflag:$0x2], $0x10, $0x38;
	[tilespmem:$0x1C290] =	vst v63  }
0x54: {  	s21 =	simm.s32 $0x230  }
0x55: {  	s22 =	simm.s32 $0xD;
	s24 =	sadd.s32 $0x0, s9;
	s23 =	simm.s32 $0x2A0  }
.LBB2_10:
0x56: {  	[hbm4b:s24+s2] =	stream.linear.scatter [tilespmem:s21], [sflag:$0x2], $0x10, $0x38;
	[tilespmem:$0x1C290] =	vst v63  }
0x57: {  	s24 =	smov.u32 s22;
	s21 =	smov.u32 s23;
	p1 =	sne.s32 s22, $0x19F3  }
.Ltmp4:
0x58: {  	s22 =	sadd.s32 $0xD, s22;
	(pc) =	sbr.rel @p1 .LBB2_10-.Ltmp4, $2  }
0x59: {  	_ =	sdelay $0x2  }
0x5a: {  	s23 =	sadd.s32 $0x70, s23;
	s24 =	sadd.s32 s24, s9  }
0x5b: {  	[hbm4b:s24+s2] =	stream.linear.scatter [tilespmem:s21], [sflag:$0x2], $0x10, $0x38;
	[tilespmem:$0x1C290] =	vst v63  }
0x5c: {  	s21 =	simm.s32 $0x240  }
0x5d: {  	s22 =	simm.s32 $0xD;
	s24 =	sadd.s32 $0x0, s10;
	s23 =	simm.s32 $0x2B0  }
.LBB2_12:
0x5e: {  	[hbm4b:s24+s2] =	stream.linear.scatter [tilespmem:s21], [sflag:$0x2], $0x10, $0x38;
	[tilespmem:$0x1C290] =	vst v63  }
0x5f: {  	s24 =	smov.u32 s22;
	s21 =	smov.u32 s23;
	p1 =	sne.s32 s22, $0x19F3  }
.Ltmp5:
0x60: {  	s22 =	sadd.s32 $0xD, s22;
	(pc) =	sbr.rel @p1 .LBB2_12-.Ltmp5, $2  }
0x61: {  	_ =	sdelay $0x2  }
0x62: {  	s23 =	sadd.s32 $0x70, s23;
	s24 =	sadd.s32 s24, s10  }
0x63: {  	[hbm4b:s24+s2] =	stream.linear.scatter [tilespmem:s21], [sflag:$0x2], $0x10, $0x38;
	[tilespmem:$0x1C290] =	vst v63  }
0x64: {  	s21 =	simm.s32 $0x250  }
0x65: {  	s22 =	simm.s32 $0xD;
	s24 =	sadd.s32 $0x0, s11;
	s23 =	simm.s32 $0x2C0  }
.LBB2_14:
0x66: {  	[hbm4b:s24+s2] =	stream.linear.scatter [tilespmem:s21], [sflag:$0x2], $0x10, $0x38;
	[tilespmem:$0x1C290] =	vst v63  }
0x67: {  	s24 =	smov.u32 s22;
	s21 =	smov.u32 s23;
	p1 =	sne.s32 s22, $0x19F3  }
.Ltmp6:
0x68: {  	s22 =	sadd.s32 $0xD, s22;
	(pc) =	sbr.rel @p1 .LBB2_14-.Ltmp6, $2  }
0x69: {  	_ =	sdelay $0x2  }
0x6a: {  	s23 =	sadd.s32 $0x70, s23;
	s24 =	sadd.s32 s24, s11  }
0x6b: {  	[hbm4b:s24+s2] =	stream.linear.scatter [tilespmem:s21], [sflag:$0x2], $0x10, $0x38;
	[tilespmem:$0x1C290] =	vst v63  }
0x6c: {  	s21 =	simm.s32 $0x260  }
0x6d: {  	s22 =	simm.s32 $0xD;
	s24 =	sadd.s32 $0x0, s12;
	s23 =	simm.s32 $0x2D0  }
.LBB2_16:
0x6e: {  	[hbm4b:s24+s2] =	stream.linear.scatter [tilespmem:s21], [sflag:$0x2], $0x1, $0x38;
	[tilespmem:$0x1C290] =	vst v63  }
0x6f: {  	s24 =	smov.u32 s22;
	s21 =	smov.u32 s23;
	p1 =	sne.s32 s22, $0x19F3  }
.Ltmp7:
0x70: {  	s22 =	sadd.s32 $0xD, s22;
	(pc) =	sbr.rel @p1 .LBB2_16-.Ltmp7, $2  }
0x71: {  	_ =	sdelay $0x2  }
0x72: {  	s23 =	sadd.s32 $0x70, s23;
	s24 =	sadd.s32 s24, s12  }
0x73: {  	[hbm4b:s24+s2] =	stream.linear.scatter [tilespmem:s21], [sflag:$0x2], $0x1, $0x38;
	[tilespmem:$0x1C290] =	vst v63  }
0x74: {  	_ =	swait.ge [sflag:s19], $0x2000  }
0x75: {  	[sflag:s19] =	ssyncset.done $0x0  }
0x76: {  	[sflag:s19] =	ssyncadd.s32 $0xFFFFE000  }
0x77: {  	_ =	swait.ge [sflag:s19], $0x2000  }
0x78: {  	[sflag:s19] =	ssyncset.done $0x0  }
0x79: {  	[sflag:s19] =	ssyncadd.s32 $0xFFFFE000  }
0x7a: {  	_ =	swait.ge [sflag:s19], $0x2000  }
0x7b: {  	[sflag:s19] =	ssyncset.done $0x0  }
0x7c: {  	[sflag:s19] =	ssyncadd.s32 $0xFFFFE000  }
0x7d: {  	_ =	swait.ge [sflag:s19], $0x2000  }
0x7e: {  	[sflag:s19] =	ssyncset.done $0x0  }
0x7f: {  	[sflag:s19] =	ssyncadd.s32 $0xFFFFE000  }
0x80: {  	_ =	swait.ge [sflag:s19], $0x2000  }
0x81: {  	[sflag:s19] =	ssyncset.done $0x0  }
0x82: {  	s20 =	sadd.s32 $0x1, s20;
	[sflag:s19] =	ssyncadd.s32 $0xFFFFE000  }
0x83: {  	p1 =	sne.s32 s20, s13;
	_ =	swait.ge [sflag:s19], $0x2000  }
.Ltmp8:
0x84: {  	[sflag:s19] =	ssyncset.done $0x0;
	(pc) =	sbr.rel @p1 .LBB2_1-.Ltmp8, $4  }
0x85: {  	[sflag:s19] =	ssyncadd.s32 $0xFFFFE000  }
0x86: {  	_ =	swait.ge [sflag:s19], $0x200  }
0x87: {  	[sflag:s19] =	ssyncset.done $0x0  }
0x88: {  	[sflag:s19] =	ssyncadd.s32 $0xFFFFFE00  }
0x89: {  	_ =	sfence.sel $0x180000  }
0x8a: {  	[bflag:$0x0] =	sbarrier.arrive $0xFFFF  }
0x8b: {  	_ =	strace $0x90000047  }
0x8c: {  	s0 =	sadd.s32 @!p0 $0x100000, s0;
	[bflag:$0x2] =	sbarrier.arrive $0xFFFF  }
0x8d: {  	[sflag:s0] =	ssyncadd.tile.s32 @!p0 $0x1;
	_ =	shalt  }
.Lfunc_end2:
_tile_overlayer_lowered:
.L_overlay_start_2:
0x8e: {  	(tag) =	ssettag $0x2  }
0x8f: {  	s0 =	rddreg [dreg:$0x0];
	s2 =	stileid.u32  }
0x90: {  	s1 =	rddreg [dreg:$0x1];
	p0 =	sne.s32 s2, $0x0  }
0x91: {  	s3 =	rddreg [dreg:$0x2];
	[bflag:$0x3] =	sbarrier.arrive $0xFFFF;
	s2 =	simm.s32 @!p0 $0x1C03  }
0x92: {  	[timem:s3], [sflag:s2] =	dma.local @!p0 [hbm:s0], s1  }
0x93: {  	s0 =	simm.s32 @!p0 $0x3  }
0x94: {  	_ =	swait.ge @!p0 [sflag:s0], s1  }
0x95: {  	s1 =	ssub.s32 @!p0 $0x0, s1;
	[sflag:s0] =	ssyncset.done @!p0 $0x0  }
0x96: {  	[sflag:s0] =	ssyncadd.s32 @!p0 s1  }
0x97: {  	[bflag:$0x3] =	sbarrier.arrive $0xFFFF  }
0x98: {  	_ =	shalt  }

</sc_bundles>
